<compile_context>
chip_gen: v7x
topology: tpu7x:2x2x1
jax: 0.10.2.dev20260603
libtpu: 0.0.44.dev20260713+nightly
codegen_flags: <defaults>
</compile_context>

<pallas_src>
import jax
import jax.numpy as jnp
from jax import lax
from jax.experimental import pallas as pl
from jax.experimental.pallas import tpu as pltpu
from jax.experimental.pallas import tpu_sc as plsc

BLANK_TOKEN_ID = 0
NC = 2
NS = 16
L = 16

BATCH = 4
SEQ = 8192
D = 1024
TOKENS = BATCH * SEQ
NW = NC * NS
CHUNK = TOKENS // NW
CHUNKS_PER_ROW = SEQ // CHUNK
C = 32
NSTEP = CHUNK // C
NG = NSTEP // 2


def _body(x_hbm, w_hbm, out_hbm, xrow, idx, rows0, rows1, gsem0, gsem1):
    c = lax.axis_index("c")
    s = lax.axis_index("s")
    wid = c * NS + s
    b = wid // CHUNKS_PER_ROW
    k = wid % CHUNKS_PER_ROW

    pltpu.sync_copy(x_hbm.at[pl.ds(b * SEQ, SEQ)], xrow)

    def count_body(i, acc):
        v = xrow[pl.ds(i * L, L)]
        return acc + jnp.where(v == BLANK_TOKEN_ID, jnp.int32(1), jnp.int32(0))

    acc = lax.fori_loop(0, k * (CHUNK // L), count_body, jnp.zeros((L,), jnp.int32))
    carry0 = jnp.sum(acc)

    base0 = k * CHUNK

    def pos_body(i, carry):
        v = xrow[pl.ds(base0 + i * L, L)]
        isb = jnp.where(v == BLANK_TOKEN_ID, jnp.int32(1), jnp.int32(0))
        cs = plsc.cumsum(isb)
        posv = (base0 + i * L + lax.iota(jnp.int32, L)) - (cs + carry)
        idx[pl.ds(i * L, L)] = jnp.maximum(posv, 0)
        return carry + jnp.sum(isb)

    lax.fori_loop(0, CHUNK // L, pos_body, carry0)

    tbase = wid * CHUNK

    def gather_start(step, buf, sem):
        return pltpu.async_copy(w_hbm.at[idx.at[pl.ds(step * C, C)]], buf, sem)

    def gather_wait(step, buf, sem):
        pltpu.make_async_copy(w_hbm.at[idx.at[pl.ds(step * C, C)]], buf, sem).wait()

    def scatter(step, buf):
        pltpu.sync_copy(buf, out_hbm.at[pl.ds(tbase + step * C, C)])

    gather_start(0, rows0, gsem0)

    def grp(g, _):
        a = 2 * g
        gather_start(a + 1, rows1, gsem1)
        gather_wait(a, rows0, gsem0)
        scatter(a, rows0)

        @pl.when(g < NG - 1)
        def _prefetch():
            gather_start(a + 2, rows0, gsem0)

        gather_wait(a + 1, rows1, gsem1)
        scatter(a + 1, rows1)
        return 0

    lax.fori_loop(0, NG, grp, 0)


@jax.jit
def kernel(x, W):
    x_flat = x.reshape(TOKENS).astype(jnp.int32)
    W = W.astype(jnp.float32)

    mesh = plsc.VectorSubcoreMesh(
        core_axis_name="c", subcore_axis_name="s", num_cores=NC, num_subcores=NS
    )
    run = pl.kernel(
        _body,
        out_type=jax.ShapeDtypeStruct((TOKENS, D), jnp.float32),
        mesh=mesh,
        scratch_types=[
            pltpu.VMEM((SEQ,), jnp.int32),
            pltpu.VMEM((CHUNK,), jnp.int32),
            pltpu.VMEM((C, D), jnp.float32),
            pltpu.VMEM((C, D), jnp.float32),
            pltpu.SemaphoreType.DMA,
            pltpu.SemaphoreType.DMA,
        ],
        compiler_params=pltpu.CompilerParams(needs_layout_passes=False),
    )
    out = run(x_flat, W)
    return out.reshape(BATCH, SEQ, D)

# --- scband reference (transcript-rebuilt; emitter-appended) ---
"""Pipeline reference for scband-blank-positional-embedding-45990509806141 (READ-ONLY COPY).

The authoritative reference and input builder live on the scoring server;
editing this copy changes nothing except your own understanding.
"""

import jax, jax.numpy as jnp
import numpy as np

MAX_LENGTH = 8192
EMBED_DIM = 1024
BLANK_TOKEN_ID = 0
N_BLANKS = 4
INIT_SCALE = 1.0
BATCH = 4
SEQ_LEN = 8192


def get_init_weight(key, shape, fan_in, scale, dtype=jnp.float32):
    # truncated_normal init: std = scale / sqrt(fan_in); fan_in = 1 here
    std = scale / np.sqrt(fan_in)
    return jax.random.truncated_normal(key, -2.0, 2.0, shape, dtype) * std


def make_blanks_fixed_positions(x, blank_token_id, n_blanks_block):
    # Blank tokens do not advance the position counter: each blank inherits
    # the position of the preceding non-blank token.
    is_blank = (x == blank_token_id)
    base = jnp.arange(x.shape[1], dtype=jnp.int32)[None, :]
    positions = base - jnp.cumsum(is_blank.astype(jnp.int32), axis=1)
    # guard against a blank at index 0 producing -1
    positions = jnp.maximum(positions, 0)
    return positions


def setup_inputs(seed: int = 0) -> dict:
    key = jax.random.key(seed)
    kx, kw = jax.random.split(key)
    x = jax.random.randint(kx, (BATCH, SEQ_LEN), 0, 1000)
    W = get_init_weight(kw, (MAX_LENGTH, EMBED_DIM), fan_in=1, scale=INIT_SCALE)
    return {"x": x, "W": W}


def reference(x, W):
    positions = make_blanks_fixed_positions(x, BLANK_TOKEN_ID, N_BLANKS)
    embeddings = jnp.take(W, positions, axis=0)
    return embeddings

if __name__ == "__main__":
    import jax
    _d = setup_inputs()
    print(jax.jit(kernel)(*tuple(_d.values())))

</pallas_src>

<mosaic_0001>
#map = affine_map<(d0, d1) -> (0)>
#map1 = affine_map<(d0, d1) -> (0, 0)>
module attributes {stable_mosaic.version = 14 : i64} {
  func.func @_body(%arg0: i32, %arg1: i32, %arg2: memref<32768xi32, #tpu.memory_space<hbm>>, %arg3: memref<8192x1024xf32, #tpu.memory_space<hbm>>, %arg4: memref<32768x1024xf32, #tpu.memory_space<hbm>>, %arg5: memref<8192xi32, #tpu.memory_space<vmem>>, %arg6: memref<1024xi32, #tpu.memory_space<vmem>>, %arg7: memref<32x1024xf32, #tpu.memory_space<vmem>>, %arg8: memref<32x1024xf32, #tpu.memory_space<vmem>>, %arg9: memref<!tpu.dma_semaphore, #tpu.memory_space<semaphore_mem>>, %arg10: memref<!tpu.dma_semaphore, #tpu.memory_space<semaphore_mem>>) attributes {dimension_semantics = [#tpu.dimension_semantics<core_parallel>, #tpu.dimension_semantics<subcore_parallel>], iteration_bounds = array<i64: 2, 16>, scalar_prefetch = 0 : i64, scratch_operands = 6 : i64, tpu.core_type = #tpu.core_type<sc_vector_subcore>, window_params = [{transform_indices = #map}, {transform_indices = #map1}, {transform_indices = #map1}]} {
    %mul3A = arith.constant 16 : i32
    %mul3A_0 = arith.muli %arg0, %mul3A : i32
    %add3A = arith.addi %mul3A_0, %arg1 : i32
    %jit3A = arith.constant 8 : i32
    %div3A = arith.divsi %add3A, %jit3A : i32
    %sign3A = arith.constant 0 : i32
    %sign3A_1 = arith.cmpi sgt, %add3A, %sign3A : i32
    %sign3A_2 = arith.extui %sign3A_1 : i1 to i32
    %sign3A_3 = arith.constant 0 : i32
    %sign3A_4 = arith.cmpi slt, %add3A, %sign3A_3 : i32
    %sign3A_5 = arith.extui %sign3A_4 : i1 to i32
    %sign3A_6 = arith.subi %sign3A_2, %sign3A_5 : i32
    %sign3A_7 = arith.constant 0 : i32
    %sign3A_8 = arith.cmpi sgt, %jit3A, %sign3A_7 : i32
    %sign3A_9 = arith.extui %sign3A_8 : i1 to i32
    %sign3A_10 = arith.constant 0 : i32
    %sign3A_11 = arith.cmpi slt, %jit3A, %sign3A_10 : i32
    %sign3A_12 = arith.extui %sign3A_11 : i1 to i32
    %sign3A_13 = arith.subi %sign3A_9, %sign3A_12 : i32
    %ne3A = arith.cmpi ne, %sign3A_6, %sign3A_13 : i32
    %rem3A = arith.remsi %add3A, %jit3A : i32
    %ne3A_14 = arith.constant 0 : i32
    %ne3A_15 = arith.cmpi ne, %rem3A, %ne3A_14 : i32
    %and3A = arith.andi %ne3A, %ne3A_15 : i1
    %sub3A = arith.constant 1 : i32
    %sub3A_16 = arith.subi %div3A, %sub3A : i32
    %select_n3A = arith.select %and3A, %sub3A_16, %div3A : i32
    %jit3A_17 = arith.constant 8 : i32
    %eq3A = arith.constant 0 : i32
    %eq3A_18 = arith.cmpi eq, %jit3A_17, %eq3A : i32
    %jit3A_19 = arith.constant 1 : i32
    %select_n3A_20 = arith.select %eq3A_18, %jit3A_19, %jit3A_17 : i32
    %rem3A_21 = arith.remsi %add3A, %select_n3A_20 : i32
    %ne3A_22 = arith.constant 0 : i32
    %ne3A_23 = arith.cmpi ne, %rem3A_21, %ne3A_22 : i32
    %lt3A = arith.constant 0 : i32
    %lt3A_24 = arith.cmpi slt, %rem3A_21, %lt3A : i32
    %lt3A_25 = arith.constant 0 : i32
    %lt3A_26 = arith.cmpi slt, %select_n3A_20, %lt3A_25 : i32
    %ne3A_27 = arith.xori %lt3A_24, %lt3A_26 : i1
    %and3A_28 = arith.andi %ne3A_27, %ne3A_23 : i1
    %add3A_29 = arith.addi %rem3A_21, %select_n3A_20 : i32
    %select_n3A_30 = arith.select %and3A_28, %add3A_29, %rem3A_21 : i32
    %mul3A_31 = arith.constant 8192 : i32
    %mul3A_32 = arith.muli %select_n3A, %mul3A_31 : i32
    "tpu.region"() ({
      %run_scoped3A = tpu.sem_alloc : memref<!tpu.dma_semaphore, #tpu.memory_space<semaphore_mem>>
      %dma_start3A_69 = tpu.memref_slice %arg2[%mul3A_32] : memref<32768xi32, #tpu.memory_space<hbm>> -> memref<8192xi32, #tpu.memory_space<hbm>>
      %dma_start3A_70 = tpu.memref_slice %arg2[%mul3A_32] : memref<32768xi32, #tpu.memory_space<hbm>> -> memref<8192xi32, #tpu.memory_space<hbm>>
      tpu.enqueue_dma source(%dma_start3A_70 : memref<8192xi32, #tpu.memory_space<hbm>>) target(%arg5 : memref<8192xi32, #tpu.memory_space<vmem>>) target_semaphore(%run_scoped3A : memref<!tpu.dma_semaphore, #tpu.memory_space<semaphore_mem>>)
      %dma_wait3A = tpu.memref_slice %arg2[%mul3A_32] : memref<32768xi32, #tpu.memory_space<hbm>> -> memref<8192xi32, #tpu.memory_space<hbm>>
      %dma_wait3A_71 = tpu.memref_slice %arg2[%mul3A_32] : memref<32768xi32, #tpu.memory_space<hbm>> -> memref<8192xi32, #tpu.memory_space<hbm>>
      tpu.wait_dma2 semaphore(%run_scoped3A : memref<!tpu.dma_semaphore, #tpu.memory_space<semaphore_mem>>) src(%dma_wait3A_71 : memref<8192xi32, #tpu.memory_space<hbm>>) dst(%arg5 : memref<8192xi32, #tpu.memory_space<vmem>>)
      tpu.yield
    }) : () -> ()
    %mul3A_33 = arith.constant 64 : i32
    %mul3A_34 = arith.muli %select_n3A_30, %mul3A_33 : i32
    %broadcast_in_dim3A = arith.constant 0 : i32
    %broadcast_in_dim3A_35 = vector.broadcast %broadcast_in_dim3A : i32 to vector<16xi32>
    %while3A = arith.constant 0 : i32
    %while3A_36 = arith.subi %mul3A_34, %while3A : i32
    %while3A_37 = arith.addi %while3A, %while3A_36 : i32
    %while3A_38 = arith.constant 1 : i32
    %while3A_39 = arith.divsi %while3A_36, %while3A_38 : i32
    %while3A_40 = arith.muli %while3A_39, %while3A_38 : i32
    %while3A_41 = arith.addi %while3A, %while3A_40 : i32
    %while3A_42 = arith.constant 1 : i32
    %while3A_43 = scf.for %while3A_69 = %while3A to %while3A_41 step %while3A_42 iter_args(%while3A_70 = %broadcast_in_dim3A_35) -> (vector<16xi32>)  : i32 {
      %mul3A_71 = arith.constant 16 : i32
      %mul3A_72 = arith.muli %while3A_69, %mul3A_71 : i32
      %get3A = arith.index_cast %mul3A_72 : i32 to index
      %get3A_73 = tpu.vector_load %arg5[%get3A] {strides = array<i32>} : memref<8192xi32, #tpu.memory_space<vmem>>, vector<16xi32>,
      %eq3A_74 = arith.constant 0 : i32
      %eq3A_75 = vector.broadcast %eq3A_74 : i32 to vector<16xi32>
      %eq3A_76 = arith.cmpi eq, %get3A_73, %eq3A_75 : vector<16xi32>
      %jit3A_77 = arith.constant 1 : i32
      %jit3A_78 = arith.constant 0 : i32
      %broadcast_in_dim3A_79 = vector.broadcast %jit3A_77 : i32 to vector<16xi32>
      %broadcast_in_dim3A_80 = vector.broadcast %jit3A_78 : i32 to vector<16xi32>
      %select_n3A_81 = arith.select %eq3A_76, %broadcast_in_dim3A_79, %broadcast_in_dim3A_80 : vector<16xi1>, vector<16xi32>
      %add3A_82 = arith.addi %while3A_70, %select_n3A_81 : vector<16xi32>
      scf.yield %add3A_82 : vector<16xi32>
    }
    %while3A_44 = arith.constant 1 : i32
    %while3A_45 = scf.for %while3A_69 = %while3A_41 to %while3A_37 step %while3A_44 iter_args(%while3A_70 = %while3A_43) -> (vector<16xi32>)  : i32 {
      %mul3A_71 = arith.constant 16 : i32
      %mul3A_72 = arith.muli %while3A_69, %mul3A_71 : i32
      %get3A = arith.index_cast %mul3A_72 : i32 to index
      %get3A_73 = tpu.vector_load %arg5[%get3A] {strides = array<i32>} : memref<8192xi32, #tpu.memory_space<vmem>>, vector<16xi32>,
      %eq3A_74 = arith.constant 0 : i32
      %eq3A_75 = vector.broadcast %eq3A_74 : i32 to vector<16xi32>
      %eq3A_76 = arith.cmpi eq, %get3A_73, %eq3A_75 : vector<16xi32>
      %jit3A_77 = arith.constant 1 : i32
      %jit3A_78 = arith.constant 0 : i32
      %broadcast_in_dim3A_79 = vector.broadcast %jit3A_77 : i32 to vector<16xi32>
      %broadcast_in_dim3A_80 = vector.broadcast %jit3A_78 : i32 to vector<16xi32>
      %select_n3A_81 = arith.select %eq3A_76, %broadcast_in_dim3A_79, %broadcast_in_dim3A_80 : vector<16xi1>, vector<16xi32>
      %add3A_82 = arith.addi %while3A_70, %select_n3A_81 : vector<16xi32>
      scf.yield %add3A_82 : vector<16xi32>
    }
    %reduce_sum3A = arith.constant true
    %reduce_sum3A_46 = vector.broadcast %reduce_sum3A : i1 to vector<16xi1>
    %reduce_sum3A_47 = tpu.scan <sum>, %while3A_45 masked %reduce_sum3A_46 : vector<16xi32>, vector<16xi1> -> vector<16xi32>
    %reduce_sum3A_48 = vector.extract %reduce_sum3A_47[15] : i32 from vector<16xi32>
    %mul3A_49 = arith.constant 1024 : i32
    %mul3A_50 = arith.muli %select_n3A_30, %mul3A_49 : i32
    %scan3A = arith.constant 0 : i32
    %scan3A_51 = arith.constant 64 : i32
    %scan3A_52 = arith.addi %scan3A, %scan3A_51 : i32
    %scan3A_53 = arith.constant 1 : i32
    %scan3A_54 = scf.for %scan3A_69 = %scan3A to %scan3A_52 step %scan3A_53 iter_args(%scan3A_70 = %reduce_sum3A_48) -> (i32)  : i32 {
      %mul3A_71 = arith.constant 16 : i32
      %mul3A_72 = arith.muli %scan3A_69, %mul3A_71 : i32
      %add3A_73 = arith.addi %mul3A_50, %mul3A_72 : i32
      %get3A = arith.index_cast %add3A_73 : i32 to index
      %get3A_74 = tpu.vector_load %arg5[%get3A] {strides = array<i32>} : memref<8192xi32, #tpu.memory_space<vmem>>, vector<16xi32>,
      %eq3A_75 = arith.constant 0 : i32
      %eq3A_76 = vector.broadcast %eq3A_75 : i32 to vector<16xi32>
      %eq3A_77 = arith.cmpi eq, %get3A_74, %eq3A_76 : vector<16xi32>
      %jit3A_78 = arith.constant 1 : i32
      %jit3A_79 = arith.constant 0 : i32
      %broadcast_in_dim3A_80 = vector.broadcast %jit3A_78 : i32 to vector<16xi32>
      %broadcast_in_dim3A_81 = vector.broadcast %jit3A_79 : i32 to vector<16xi32>
      %select_n3A_82 = arith.select %eq3A_77, %broadcast_in_dim3A_80, %broadcast_in_dim3A_81 : vector<16xi1>, vector<16xi32>
      %broadcast_in_dim3A_83 = arith.constant true
      %broadcast_in_dim3A_84 = vector.broadcast %broadcast_in_dim3A_83 : i1 to vector<16xi1>
      %masked_cumsum3A = tpu.scan <sum>, %select_n3A_82 masked %broadcast_in_dim3A_84 : vector<16xi32>, vector<16xi1> -> vector<16xi32>
      %mul3A_85 = arith.constant 16 : i32
      %mul3A_86 = arith.muli %scan3A_69, %mul3A_85 : i32
      %add3A_87 = arith.addi %mul3A_50, %mul3A_86 : i32
      %iota3A = tpu.iota {dimensions = array<i32: 0>} : vector<16xi32>
      %add3A_88 = vector.broadcast %add3A_87 : i32 to vector<16xi32>
      %add3A_89 = arith.addi %add3A_88, %iota3A : vector<16xi32>
      %add3A_90 = vector.broadcast %scan3A_70 : i32 to vector<16xi32>
      %add3A_91 = arith.addi %masked_cumsum3A, %add3A_90 : vector<16xi32>
      %sub3A_92 = arith.subi %add3A_89, %add3A_91 : vector<16xi32>
      %max3A = arith.constant 0 : i32
      %max3A_93 = vector.broadcast %max3A : i32 to vector<16xi32>
      %max3A_94 = arith.maxsi %sub3A_92, %max3A_93 : vector<16xi32>
      %mul3A_95 = arith.constant 16 : i32
      %mul3A_96 = arith.muli %scan3A_69, %mul3A_95 : i32
      %swap3A = arith.index_cast %mul3A_96 : i32 to index
      %swap3A_97 = tpu.vector_load %arg6[%swap3A] {strides = array<i32>} : memref<1024xi32, #tpu.memory_space<vmem>>, vector<16xi32>,
      tpu.vector_store %arg6[%swap3A], %max3A_94 {strides = array<i32>} : memref<1024xi32, #tpu.memory_space<vmem>>, vector<16xi32>,
      %reduce_sum3A_98 = arith.constant true
      %reduce_sum3A_99 = vector.broadcast %reduce_sum3A_98 : i1 to vector<16xi1>
      %reduce_sum3A_100 = tpu.scan <sum>, %select_n3A_82 masked %reduce_sum3A_99 : vector<16xi32>, vector<16xi1> -> vector<16xi32>
      %reduce_sum3A_101 = vector.extract %reduce_sum3A_100[15] : i32 from vector<16xi32>
      %add3A_102 = arith.addi %scan3A_70, %reduce_sum3A_101 : i32
      scf.yield %add3A_102 : i32
    }
    %scan3A_55 = arith.constant 64 : i32
    %mul3A_56 = arith.constant 1024 : i32
    %mul3A_57 = arith.muli %add3A, %mul3A_56 : i32
    %dma_start3A = arith.constant 0 : i32
    %dma_start3A_58 = tpu.memref_slice %arg6[%dma_start3A] : memref<1024xi32, #tpu.memory_space<vmem>> -> memref<32xi32, #tpu.memory_space<vmem>>
    %dma_start3A_59 = arith.constant 0 : i32
    %dma_start3A_60 = arith.constant 0 : i32
    %dma_start3A_61 = tpu.memref_slice %arg3[%dma_start3A_59, %dma_start3A_60] : memref<8192x1024xf32, #tpu.memory_space<hbm>> -> memref<8192x1024xf32, #tpu.memory_space<hbm>>
    tpu.enqueue_indirect_dma source(%dma_start3A_61 : memref<8192x1024xf32, #tpu.memory_space<hbm>>) target(%arg7 : memref<32x1024xf32, #tpu.memory_space<vmem>>) offsets(%dma_start3A_58 : memref<32xi32, #tpu.memory_space<vmem>>) semaphore(%arg9 : memref<!tpu.dma_semaphore, #tpu.memory_space<semaphore_mem>>)
    %scan3A_62 = arith.constant 0 : i32
    %scan3A_63 = arith.constant 0 : i32
    %scan3A_64 = arith.constant 16 : i32
    %scan3A_65 = arith.addi %scan3A_63, %scan3A_64 : i32
    %scan3A_66 = arith.constant 1 : i32
    %scan3A_67 = scf.for %scan3A_69 = %scan3A_63 to %scan3A_65 step %scan3A_66 iter_args(%scan3A_70 = %scan3A_62) -> (i32)  : i32 {
      %mul3A_71 = arith.constant 2 : i32
      %mul3A_72 = arith.muli %mul3A_71, %scan3A_69 : i32
      %add3A_73 = arith.constant 1 : i32
      %add3A_74 = arith.addi %mul3A_72, %add3A_73 : i32
      %mul3A_75 = arith.constant 32 : i32
      %mul3A_76 = arith.muli %add3A_74, %mul3A_75 : i32
      %dma_start3A_77 = tpu.memref_slice %arg6[%mul3A_76] : memref<1024xi32, #tpu.memory_space<vmem>> -> memref<32xi32, #tpu.memory_space<vmem>>
      %dma_start3A_78 = arith.constant 0 : i32
      %dma_start3A_79 = arith.constant 0 : i32
      %dma_start3A_80 = tpu.memref_slice %arg3[%dma_start3A_78, %dma_start3A_79] : memref<8192x1024xf32, #tpu.memory_space<hbm>> -> memref<8192x1024xf32, #tpu.memory_space<hbm>>
      tpu.enqueue_indirect_dma source(%dma_start3A_80 : memref<8192x1024xf32, #tpu.memory_space<hbm>>) target(%arg8 : memref<32x1024xf32, #tpu.memory_space<vmem>>) offsets(%dma_start3A_77 : memref<32xi32, #tpu.memory_space<vmem>>) semaphore(%arg10 : memref<!tpu.dma_semaphore, #tpu.memory_space<semaphore_mem>>)
      %mul3A_81 = arith.constant 32 : i32
      %mul3A_82 = arith.muli %mul3A_72, %mul3A_81 : i32
      %dma_wait3A = tpu.memref_slice %arg6[%mul3A_82] : memref<1024xi32, #tpu.memory_space<vmem>> -> memref<32xi32, #tpu.memory_space<vmem>>
      %dma_wait3A_83 = arith.constant 0 : i32
      %dma_wait3A_84 = arith.constant 0 : i32
      %dma_wait3A_85 = tpu.memref_slice %arg3[%dma_wait3A_83, %dma_wait3A_84] : memref<8192x1024xf32, #tpu.memory_space<hbm>> -> memref<8192x1024xf32, #tpu.memory_space<hbm>>
      tpu.wait_indirect_dma semaphore(%arg9 : memref<!tpu.dma_semaphore, #tpu.memory_space<semaphore_mem>>) src(%dma_wait3A_85 : memref<8192x1024xf32, #tpu.memory_space<hbm>>) dst(%arg7 : memref<32x1024xf32, #tpu.memory_space<vmem>>)
      %mul3A_86 = arith.constant 32 : i32
      %mul3A_87 = arith.muli %mul3A_72, %mul3A_86 : i32
      %add3A_88 = arith.addi %mul3A_57, %mul3A_87 : i32
      "tpu.region"() ({
        %run_scoped3A = tpu.sem_alloc : memref<!tpu.dma_semaphore, #tpu.memory_space<semaphore_mem>>
        %dma_start3A_106 = arith.constant 0 : i32
        %dma_start3A_107 = tpu.memref_slice %arg4[%add3A_88, %dma_start3A_106] : memref<32768x1024xf32, #tpu.memory_space<hbm>> -> memref<32x1024xf32, #tpu.memory_space<hbm>>
        %dma_start3A_108 = arith.constant 0 : i32
        %dma_start3A_109 = tpu.memref_slice %arg4[%add3A_88, %dma_start3A_108] : memref<32768x1024xf32, #tpu.memory_space<hbm>> -> memref<32x1024xf32, #tpu.memory_space<hbm>>
        tpu.enqueue_dma source(%arg7 : memref<32x1024xf32, #tpu.memory_space<vmem>>) target(%dma_start3A_109 : memref<32x1024xf32, #tpu.memory_space<hbm>>) target_semaphore(%run_scoped3A : memref<!tpu.dma_semaphore, #tpu.memory_space<semaphore_mem>>)
        %dma_wait3A_110 = arith.constant 0 : i32
        %dma_wait3A_111 = tpu.memref_slice %arg4[%add3A_88, %dma_wait3A_110] : memref<32768x1024xf32, #tpu.memory_space<hbm>> -> memref<32x1024xf32, #tpu.memory_space<hbm>>
        %dma_wait3A_112 = arith.constant 0 : i32
        %dma_wait3A_113 = tpu.memref_slice %arg4[%add3A_88, %dma_wait3A_112] : memref<32768x1024xf32, #tpu.memory_space<hbm>> -> memref<32x1024xf32, #tpu.memory_space<hbm>>
        tpu.wait_dma2 semaphore(%run_scoped3A : memref<!tpu.dma_semaphore, #tpu.memory_space<semaphore_mem>>) src(%arg7 : memref<32x1024xf32, #tpu.memory_space<vmem>>) dst(%dma_wait3A_113 : memref<32x1024xf32, #tpu.memory_space<hbm>>)
        tpu.yield
      }) : () -> ()
      %lt3A_89 = arith.constant 15 : i32
      %lt3A_90 = arith.cmpi slt, %scan3A_69, %lt3A_89 : i32
      %convert_element_type3A = arith.extui %lt3A_90 : i1 to i32
      %cond3A = arith.constant 0 : i32
      %cond3A_91 = arith.cmpi ne, %convert_element_type3A, %cond3A : i32
      scf.if %cond3A_91 {
        %add3A_106 = arith.constant 2 : i32
        %add3A_107 = arith.addi %mul3A_72, %add3A_106 : i32
        %mul3A_108 = arith.constant 32 : i32
        %mul3A_109 = arith.muli %add3A_107, %mul3A_108 : i32
        %dma_start3A_110 = tpu.memref_slice %arg6[%mul3A_109] : memref<1024xi32, #tpu.memory_space<vmem>> -> memref<32xi32, #tpu.memory_space<vmem>>
        %dma_start3A_111 = arith.constant 0 : i32
        %dma_start3A_112 = arith.constant 0 : i32
        %dma_start3A_113 = tpu.memref_slice %arg3[%dma_start3A_111, %dma_start3A_112] : memref<8192x1024xf32, #tpu.memory_space<hbm>> -> memref<8192x1024xf32, #tpu.memory_space<hbm>>
        tpu.enqueue_indirect_dma source(%dma_start3A_113 : memref<8192x1024xf32, #tpu.memory_space<hbm>>) target(%arg7 : memref<32x1024xf32, #tpu.memory_space<vmem>>) offsets(%dma_start3A_110 : memref<32xi32, #tpu.memory_space<vmem>>) semaphore(%arg9 : memref<!tpu.dma_semaphore, #tpu.memory_space<semaphore_mem>>)
      } else {
      }
      %add3A_92 = arith.constant 1 : i32
      %add3A_93 = arith.addi %mul3A_72, %add3A_92 : i32
      %mul3A_94 = arith.constant 32 : i32
      %mul3A_95 = arith.muli %add3A_93, %mul3A_94 : i32
      %dma_wait3A_96 = tpu.memref_slice %arg6[%mul3A_95] : memref<1024xi32, #tpu.memory_space<vmem>> -> memref<32xi32, #tpu.memory_space<vmem>>
      %dma_wait3A_97 = arith.constant 0 : i32
      %dma_wait3A_98 = arith.constant 0 : i32
      %dma_wait3A_99 = tpu.memref_slice %arg3[%dma_wait3A_97, %dma_wait3A_98] : memref<8192x1024xf32, #tpu.memory_space<hbm>> -> memref<8192x1024xf32, #tpu.memory_space<hbm>>
      tpu.wait_indirect_dma semaphore(%arg10 : memref<!tpu.dma_semaphore, #tpu.memory_space<semaphore_mem>>) src(%dma_wait3A_99 : memref<8192x1024xf32, #tpu.memory_space<hbm>>) dst(%arg8 : memref<32x1024xf32, #tpu.memory_space<vmem>>)
      %add3A_100 = arith.constant 1 : i32
      %add3A_101 = arith.addi %mul3A_72, %add3A_100 : i32
      %mul3A_102 = arith.constant 32 : i32
      %mul3A_103 = arith.muli %add3A_101, %mul3A_102 : i32
      %add3A_104 = arith.addi %mul3A_57, %mul3A_103 : i32
      "tpu.region"() ({
        %run_scoped3A = tpu.sem_alloc : memref<!tpu.dma_semaphore, #tpu.memory_space<semaphore_mem>>
        %dma_start3A_106 = arith.constant 0 : i32
        %dma_start3A_107 = tpu.memref_slice %arg4[%add3A_104, %dma_start3A_106] : memref<32768x1024xf32, #tpu.memory_space<hbm>> -> memref<32x1024xf32, #tpu.memory_space<hbm>>
        %dma_start3A_108 = arith.constant 0 : i32
        %dma_start3A_109 = tpu.memref_slice %arg4[%add3A_104, %dma_start3A_108] : memref<32768x1024xf32, #tpu.memory_space<hbm>> -> memref<32x1024xf32, #tpu.memory_space<hbm>>
        tpu.enqueue_dma source(%arg8 : memref<32x1024xf32, #tpu.memory_space<vmem>>) target(%dma_start3A_109 : memref<32x1024xf32, #tpu.memory_space<hbm>>) target_semaphore(%run_scoped3A : memref<!tpu.dma_semaphore, #tpu.memory_space<semaphore_mem>>)
        %dma_wait3A_110 = arith.constant 0 : i32
        %dma_wait3A_111 = tpu.memref_slice %arg4[%add3A_104, %dma_wait3A_110] : memref<32768x1024xf32, #tpu.memory_space<hbm>> -> memref<32x1024xf32, #tpu.memory_space<hbm>>
        %dma_wait3A_112 = arith.constant 0 : i32
        %dma_wait3A_113 = tpu.memref_slice %arg4[%add3A_104, %dma_wait3A_112] : memref<32768x1024xf32, #tpu.memory_space<hbm>> -> memref<32x1024xf32, #tpu.memory_space<hbm>>
        tpu.wait_dma2 semaphore(%run_scoped3A : memref<!tpu.dma_semaphore, #tpu.memory_space<semaphore_mem>>) src(%arg8 : memref<32x1024xf32, #tpu.memory_space<vmem>>) dst(%dma_wait3A_113 : memref<32x1024xf32, #tpu.memory_space<hbm>>)
        tpu.yield
      }) : () -> ()
      %scan3A_105 = arith.constant 0 : i32
      scf.yield %scan3A_105 : i32
    }
    %scan3A_68 = arith.constant 16 : i32
    return
  }
}

</mosaic_0001>

<sc_bundles>
// kernel: kernel.3.cloned.1.call-start
scs
__scs_entry_jumppad:
0x0: {  	(pc) =	sbr.rel $0x88, $3  }
0x1: {  	(tag) =	ssettag $0x0;
	lr =	simm.s32 $0x1  }
0x2: {  	[smem:$0x3F9F] =	sst lr;
	_ =	strace $0xD0000000  }
0x3: {  	_ = 	snop  }
0x4: {  	_ = 	snop  }
0x5: {  	_ = 	snop  }
0x6: {  	_ = 	snop  }
0x7: {  	_ = 	snop  }
__scs_overlays_trampoline_lowered:
0x8: {  	[smem:$0x3FAE] =	sst s0  }
0x9: {  	[smem:$0x3FAF] =	sst s1  }
0xa: {  	[smem:$0x3FB0] =	sst s2  }
0xb: {  	[smem:$0x3FB1] =	sst s3  }
0xc: {  	[smem:$0x3FB2] =	sst s4  }
0xd: {  	[smem:$0x3FB3] =	sst s5  }
0xe: {  	[smem:$0x3FB4] =	sst s6  }
0xf: {  	[smem:$0x3FB5] =	sst s7  }
0x10: {  	[smem:$0x3FB6] =	sst s8  }
0x11: {  	[smem:$0x3FB7] =	sst s9;
	s0 =	simm.s32 @!p0 $0x0  }
0x12: {  	s1 =	sld [smem:$0x3F9D];
	s0 =	simm.s32 @p0 $0x1  }
0x13: {  	[smem:$0x3FB8] =	sst s0;
	s0 =	simm.s32 @!p1 $0x0  }
0x14: {  	s2 =	sld [smem:$0x3F9C];
	s0 =	simm.s32 @p1 $0x1  }
0x15: {  	[smem:$0x3FB9] =	sst s0;
	s0 =	simm.s32 @!p2 $0x0  }
0x16: {  	s3 =	sld [smem:$0x3FDB];
	s0 =	simm.s32 @p2 $0x1  }
0x17: {  	s4 =	simm.s32 $0x1BF5;
	[smem:$0x3FBB] =	sst s0  }
0x18: {  	s0 =	sld [smem:$0x3F9E];
	_ =	swait.ge [sflag:s4], $0x0  }
0x19: {  	s7 =	sld [smem:$0x3F9F]  }
0x1a: {  	s8 =	sadd.s32 $0xFFFFE003, lr  }
0x1b: {  	s9 =	sadd.s32 $0xFFFFFEF7, lr;
	s5 =	simm.s32 $0xFFFFFFFF;
	p2 =	slt.u32 s8, $0xFFFFF086  }
0x1c: {  	p1 =	slt.u32 s9, $0xF7A;
	s5 =	simm.s32 @!p2 $0x0  }
0x1d: {  	s5 =	simm.s32 @p1 $0x1;
	p0 =	seq.s32 s7, s2  }
0x1e: {  	s7 =	smul.u32 @!p0 $0xF7A, s2;
	p2 =	seq.s32 @!p0 s5, $0x0  }
0x1f: {  	s9 =	smul.u32 $0xF7A, s1;
	s8 =	simm.s32 @!p0 $0x1BF5;
	p2 =	por !p2, p0  }
0x20: {  	[sflag:s8] =	ssyncset.s32 @!p0 $0xFFFFF086;
	s6 =	sadd.s32 @!p0 s3, s7;
	s7 =	simm.s32 @!p0 $0x108  }
0x21: {  	s3 =	sadd.s32 s3, s9;
	s6 =	sadd.s32 @!p0 $0x88, s6;
	s7 =	simm.s32 @p2 $0x1082  }
0x22: {  	[simem:s7], [sflag:s8] =	dma.local @!p0 [hbm:s6], $0xF7A  }
0x23: {  	s9 =	sor.u32 $0xD0000000, s2;
	s6 =	simm.s32 $0x108;
	_ =	swait.ge @!p0 [sflag:s8], $0x0  }
0x24: {  	s3 =	sadd.s32 $0x88, s3;
	s6 =	simm.s32 @!p1 $0x1082;
	[sflag:s4] =	ssyncset.s32 $0xFFFFF086  }
0x25: {  	[simem:s6], [sflag:s4] =	dma.local [hbm:s3], $0xF7A  }
0x26: {  	[smem:$0x3F9F] =	sst s1;
	(tag) =	ssettag s2;
	_ =	strace s9  }
0x27: {  	s1 =	sld [smem:$0x3FAF]  }
0x28: {  	s2 =	sld [smem:$0x3FB0]  }
0x29: {  	s4 =	sld [smem:$0x3FB2]  }
0x2a: {  	p0 =	seq.s32 s5, $0x0;
	s5 =	sld [smem:$0x3FB3]  }
0x2b: {  	s6 =	sld [smem:$0x3FB4]  }
0x2c: {  	s7 =	sld [smem:$0x3FB5]  }
0x2d: {  	s3 =	simm.s32 $0x108;
	s8 =	sld [smem:$0x3FB6]  }
0x2e: {  	s3 =	simm.s32 @!p0 $0x1082;
	s9 =	sld [smem:$0x3FB7]  }
0x2f: {  	lr =	sadd.s32 s0, s3;
	s0 =	sld [smem:$0x3FAE]  }
0x30: {  	s3 =	sld [smem:$0x3FB1]  }
0x31: {  	[smem:$0x3FBA] =	sst s10  }
0x32: {  	s10 =	sld [smem:$0x3FB8];
	_ =	sdelay $0x3  }
0x33: {  	p0 =	seq.s32 s10, $0x1;
	s10 =	sld [smem:$0x3FBA];
	_ =	sdelay $0x3  }
0x34: {  	[smem:$0x3FBA] =	sst s10  }
0x35: {  	s10 =	sld [smem:$0x3FB9];
	_ =	sdelay $0x3  }
0x36: {  	p1 =	seq.s32 s10, $0x1;
	s10 =	sld [smem:$0x3FBA];
	_ =	sdelay $0x3  }
0x37: {  	[smem:$0x3FBA] =	sst s10  }
0x38: {  	s10 =	sld [smem:$0x3FBB]  }
0x39: {  	_ = 	snop;
	(pc) =	sbr.ind lr, $3  }
0x3a: {  	_ = 	snop  }
0x3b: {  	_ = 	snop  }
0x3c: {  	p2 =	seq.s32 s10, $0x1;
	s10 =	sld [smem:$0x3FBA]  }
0x3d: {  	_ =	shalt  }
0x3e: {  	_ =	shalt  }
0x3f: {  	_ =	shalt  }
0x40: {  	_ =	shalt  }
0x41: {  	_ =	shalt  }
0x42: {  	_ =	shalt  }
0x43: {  	_ =	shalt  }
0x44: {  	_ =	shalt  }
0x45: {  	_ =	shalt  }
0x46: {  	_ =	shalt  }
0x47: {  	_ =	shalt  }
0x48: {  	_ =	shalt  }
0x49: {  	_ =	shalt  }
0x4a: {  	_ =	shalt  }
0x4b: {  	_ =	shalt  }
0x4c: {  	_ =	shalt  }
0x4d: {  	_ =	shalt  }
0x4e: {  	_ =	shalt  }
0x4f: {  	_ =	shalt  }
0x50: {  	_ =	shalt  }
0x51: {  	_ =	shalt  }
0x52: {  	_ =	shalt  }
0x53: {  	_ =	shalt  }
0x54: {  	_ =	shalt  }
0x55: {  	_ =	shalt  }
0x56: {  	_ =	shalt  }
0x57: {  	_ =	shalt  }
0x58: {  	_ =	shalt  }
0x59: {  	_ =	shalt  }
0x5a: {  	_ =	shalt  }
0x5b: {  	_ =	shalt  }
0x5c: {  	_ =	shalt  }
0x5d: {  	_ =	shalt  }
0x5e: {  	_ =	shalt  }
0x5f: {  	_ =	shalt  }
0x60: {  	_ =	shalt  }
0x61: {  	_ =	shalt  }
0x62: {  	_ =	shalt  }
0x63: {  	_ =	shalt  }
0x64: {  	_ =	shalt  }
0x65: {  	_ =	shalt  }
0x66: {  	_ =	shalt  }
0x67: {  	_ =	shalt  }
0x68: {  	_ =	shalt  }
0x69: {  	_ =	shalt  }
0x6a: {  	_ =	shalt  }
0x6b: {  	_ =	shalt  }
0x6c: {  	_ =	shalt  }
0x6d: {  	_ =	shalt  }
0x6e: {  	_ =	shalt  }
0x6f: {  	_ =	shalt  }
0x70: {  	_ =	shalt  }
0x71: {  	_ =	shalt  }
0x72: {  	_ =	shalt  }
0x73: {  	_ =	shalt  }
0x74: {  	_ =	shalt  }
0x75: {  	_ =	shalt  }
0x76: {  	_ =	shalt  }
0x77: {  	_ =	shalt  }
0x78: {  	_ =	shalt  }
0x79: {  	_ =	shalt  }
0x7a: {  	_ =	shalt  }
0x7b: {  	_ =	shalt  }
0x7c: {  	_ =	shalt  }
0x7d: {  	_ =	shalt  }
0x7e: {  	_ =	shalt  }
0x7f: {  	_ =	shalt  }
0x80: {  	_ =	shalt  }
0x81: {  	_ =	shalt  }
0x82: {  	_ =	shalt  }
0x83: {  	_ =	shalt  }
0x84: {  	_ =	shalt  }
0x85: {  	_ =	shalt  }
0x86: {  	_ =	shalt  }
0x87: {  	_ =	shalt  }
.Lfunc_end0:
.L_simem_size_0:
called_computation_lowered:
.L_overlay_start_0:
0x88: {  	s2 =	sld [smem:$0x3FD9]  }
0x89: {  	s3 =	sld [smem:$0x3FFE];
	_ =	sdelay $0x1  }
0x8a: {  	s1 =	srdreg.scid  }
0x8b: {  	s0 =	sand.u32 $0x1, s1  }
0x8c: {  	s17 =	sshll.u32 s0, $0xA;
	s2 =	sadd.s32 s3, s2  }
0x8d: {  	s2 =	sadd.s32 s2, s17  }
0x8e: {  	[smem:$0x3FC6] =	sst s2  }
0x8f: {  	_ = 	snop  }
0x90: {  	s2 =	sld [smem:$0x3FC8]  }
0x91: {  	s18 =	sld [smem:$0x3FD0];
	(tm) =	ssettm $0x1  }
0x92: {  	s4 =	sld [smem:$0x3FFB];
	_ =	sdelay $0x3  }
0x93: {  	_ =	strace s4  }
0x94: {  	s4 =	sld [smem:$0x3FFC];
	_ =	sdelay $0x3  }
0x95: {  	_ =	strace s4  }
0x96: {  	s4 =	sld [smem:$0x3FFD];
	_ =	sdelay $0x3  }
0x97: {  	_ =	strace s4  }
0x98: {  	_ =	strace $0x8FFFFFFF  }
0x99: {  	s19 =	sld [smem:$0x3FDB];
	_ =	sdelay $0x1  }
0x9a: {  	s5 =	simm.s32 $_scs_section_size  }
0x9b: {  	s6 =	simm.s32 $_size__tile_overlayer_lowered;
	s7 =	simm.s32 $_tile_overlayer_lowered  }
0x9c: {  	s22 =	simm.s32 $0x1BFF;
	s21 =	sshll.u32 s7, $0x1;
	s4 =	sadd.s32 s5, s19  }
0x9d: {  	s8 =	simm.s32 $0x0;
	s20 =	sshll.u32 s6, $0x1;
	s6 =	sadd.s32 s21, s4  }
0x9e: {  	[timem:s8], [sflag:s22] =	dma.local [hbm:s6], s20  }
0x9f: {  	_ =	swait.ge [sflag:s22], s20  }
0xa0: {  	s5 =	ssub.s32 $0x0, s20;
	[sflag:s22] =	ssyncset.done $0x0  }
0xa1: {  	[sflag:s22] =	ssyncadd.s32 s5;
	_ =	sdelay $0x1  }
0xa2: {  	s23 =	simm.s32 $0x1B8B  }
0xa3: {  	_ =	swait.ge [sflag:s23], $0x1  }
0xa4: {  	[sflag:s23] =	ssyncset.done $0x0  }
0xa5: {  	s25 =	simm.s32 $0x1B8E;
	s24 =	sld [smem:$0x3FFE];
	[sflag:s23] =	ssyncadd.s32 $0xFFFFFFFF  }
0xa6: {  	s26 =	simm.s32 $execute0_lowered;
	[smem:$0x3FD2] =	sst s25  }
0xa7: {  	s6 =	sshll.u32 s26, $0x1;
	_ =	strace $0x80000046;
	[dreg:$0x1] =	wrdreg $0xFFFFFFFF  }
0xa8: {  	s28 =	simm.s32 $_size_execute0_lowered;
	s4 =	sadd.s32 s4, s6;
	[dreg:$0x0] =	wrdreg $0x0  }
0xa9: {  	s6 =	sshll.u32 s28, $0x1;
	[dreg:$0x2] =	wrdreg s4  }
0xaa: {  	[dreg:$0x3] =	wrdreg s6  }
0xab: {  	[dreg:$0x4] =	wrdreg $0xC0  }
0xac: {  	_ =	task [dreg:s8], $0x5FFFF  }
0xad: {  	[dreg:$0x1] =	wrdreg $0xFFFFFFFF  }
0xae: {  	[dreg:$0x0] =	wrdreg $0x60  }
0xaf: {  	[dreg:$0x2] =	wrdreg s24  }
0xb0: {  	[dreg:$0x3] =	wrdreg s2  }
0xb1: {  	[dreg:$0x4] =	wrdreg s18  }
0xb2: {  	[dreg:$0x5] =	wrdreg $0x9  }
0xb3: {  	_ =	task.clear_ibuf [dreg:s8], $0x6FFFF;
	_ =	strace $0x90000046  }
0xb4: {  	s29 =	simm.s32 $0x9;
	_ =	strace $0x80000048  }
0xb5: {  	_ =	swait.ge [sflag:s29], $0x1  }
0xb6: {  	[sflag:s29] =	ssyncadd.s32 $0xFFFFFFFF  }
0xb7: {  	_ =	strace $0x90000048  }
0xb8: {  	_ =	sfence  }
0xb9: {  	s30 =	sld [smem:$0x0];
	_ =	sdelay $0x2  }
0xba: {  	s31 =	sshll.u32 s1, $0xD;
	s1 =	sshrl.u32 s1, $0x2  }
0xbb: {  	s3 =	sand.u32 $0x4000, s31;
	s1 =	sadd.s32 s1, s30  }
0xbc: {  	s0 =	sor.u32 s3, s0;
	s1 =	sshll.u32 s1, $0x11  }
0xbd: {  	s0 =	sor.u32 s1, s0  }
0xbe: {  	s0 =	sadd.s32 $0x8F2B, s0  }
0xbf: {  	[sflag:s0] =	ssyncadd.remote.s32 $0x1  }
0xc0: {  	_ =	sfence.sel $0xFFFF  }
0xc1: {  	[dreg:$0x0] =	wrdreg $0xFFFFFFFF;
	(pc) =	sbr.abs _section_cstart, $3  }
0xc2: {  	[dreg:$0x1] =	wrdreg $0xFFFFFFFF  }
0xc3: {  	_ =	task.clear_ibuf [dreg:s8], $0x2FFFF;
	_ =	strace $0x9FFFFFFF  }
0xc4: {  	(tm) =	ssettm $0x7FFFFFFF  }
0xc5: {  	_ =	shalt  }
tec
execute0_lowered:
.L_overlay_start_1:
0x0: {  	(tag) =	ssettag $0x1  }
0x1: {  	s4 =	rddreg [dreg:$0x0]  }
0x2: {  	s0 =	srdreg.scid;
	s2 =	rddreg [dreg:$0x1]  }
0x3: {  	s10 =	stileid.u32;
	s3 =	simm.s32 $0x1;
	s9 =	rddreg [dreg:$0x2]  }
0x4: {  	s14 =	simm.s32 $0xAC00;
	s15 =	simm.s32 $0xB400;
	s0 =	sand.u32 $0x1, s0  }
0x5: {  	s16 =	simm.s32 $0xBC00;
	s17 =	simm.s32 $0xC400;
	s1 =	sshll.u32 s0, $0x4  }
0x6: {  	s18 =	simm.s32 $0xCC00;
	s12 =	sand.u32 $0x7, s10;
	s1 =	sor.u32 s10, s1  }
0x7: {  	s19 =	simm.s32 $0xD400;
	p1 =	sne.s32 s12, $0x0;
	p0 =	seq.s32 s1, $0x0  }
0x8: {  	s20 =	simm.s32 $0xDC00;
	s21 =	simm.s32 $0xE400;
	p0 =	por !p1, !p0  }
0x9: {  	s13 =	sshll.u32 s10, $0x11;
	s5 =	ssub.s32 $0x2, s0;
	p0 =	por !p0, !p0  }
0xa: {  	s0 =	sshll.u32 s0, $0x15;
	s1 =	sshrl.u32 s1, $0x3;
	s3 =	simm.s32 @!p0 $0x0  }
0xb: {  	s0 =	sadd.s32 s0, s9;
	s1 =	ssub.s32 s1, s3;
	s3 =	simm.s32 $0x0  }
0xc: {  	s22 =	simm.s32 $0xEC00;
	s0 =	sadd.s32 s13, s0;
	[smem:$0x7FF] =	sst s3  }
0xd: {  	s23 =	simm.s32 $0xF400;
	_ =	strace $0x80000047;
	[dreg:$0x4] =	wrdreg s0  }
0xe: {  	s24 =	simm.s32 $0xFC00;
	s25 =	simm.s32 $0x10400;
	[dreg:$0x5] =	wrdreg s14  }
0xf: {  	s26 =	simm.s32 $0x10C00;
	s28 =	simm.s32 $0x9400;
	[dreg:$0x6] =	wrdreg s15  }
0x10: {  	s29 =	simm.s32 $0x9C00;
	s30 =	simm.s32 $0xA400;
	[dreg:$0x7] =	wrdreg s16  }
0x11: {  	s31 =	simm.s32 $0x11400;
	s8 =	sadd.s32 $0x100, s2;
	[dreg:$0x8] =	wrdreg s17  }
0x12: {  	s7 =	sshll.u32 s12, $0xA;
	s6 =	sshrl.u32 s5, $0x1;
	[dreg:$0x9] =	wrdreg s18  }
0x13: {  	s9 =	sadd.s32 $0x200, s2;
	s10 =	sadd.s32 $0x300, s2;
	[dreg:$0xa] =	wrdreg s19  }
0x14: {  	s11 =	ssub.s32 s5, s6;
	s6 =	sshll.u32 s12, $0x6;
	[dreg:$0xb] =	wrdreg s20  }
0x15: {  	s13 =	simm.s32 $0x2400;
	s11 =	smax.u32 s11, $0x1;
	[dreg:$0xc] =	wrdreg s21  }
0x16: {  	p0 =	seq.s32 s12, $0x0;
	s1 =	sshll.u32 s1, $0xA;
	[dreg:$0xd] =	wrdreg s22  }
0x17: {  	s12 =	simm.s32 $0x3;
	s1 =	sand.u32 $0x1FFFFC00, s1;
	[dreg:$0xe] =	wrdreg s23  }
0x18: {  	s21 =	simm.s32 $0x6400;
	[dreg:$0xf] =	wrdreg s24;
	s22 =	simm.s32 $0x6C00  }
0x19: {  	[dreg:$0x10] =	wrdreg s25;
	s23 =	simm.s32 $0x7400;
	s24 =	simm.s32 $0x7C00  }
0x1a: {  	v0 =	vlaneseq.u32;
	[dreg:$0x11] =	wrdreg s26;
	s25 =	simm.s32 $0x8400;
	s26 =	simm.s32 $0x8C00  }
0x1b: {  	v1 =	vimm.s32 $0x0;
	vm0 =	vmmov $0xffff;
	v3 =	vshrl.u32 v0, $0x3;
	s0 =	simm.s32 $0x2;
	s14 =	simm.s32 $0x0;
	s1 =	sadd.s32 s1, s4  }
0x1c: {  	v2 =	vand.u32 $0x7, v0;
	v4 =	vor.u32 $0x8, v0;
	v3 =	vmul.u32 $0x8, v3;
	s4 =	simm.s32 $0x1;
	s5 =	sadd.s32 $0x400, s1;
	s1 =	simm.s32 $0x11C00  }
.LBB2_1:
.Ltmp0:
0x1d: {  	(pc) =	sbr.rel @p0 .LBB2_5-.Ltmp0, $4  }
0x1e: {  	[tilespmem:s3], [sflag:$0x3] =	stream.linear.gather [hbm4b:s5+s3], $0x2000, $0x38;
	[tilespmem:$0x12400] =	vst v63  }
0x1f: {  	_ =	swait.ge [sflag:s12], $0x2000  }
0x20: {  	[sflag:s12] =	ssyncset.done $0x0  }
0x21: {  	v5 =	vimm.s32 $0x0;
	[sflag:s12] =	ssyncadd.s32 $0xFFFFE000  }
0x22: {  	v5 =	vld [tilespmem:s3+$0x0];
	p1 =	sne.s32 s6, $0x1  }
.Ltmp1:
0x23: {  	_ = 	snop;
	(pc) =	sbr.rel @!p1 .LBB2_4-.Ltmp1, $2  }
0x24: {  	_ =	sdelay $0x2  }
0x25: {  	s15 =	sadd.s32 $0xFFFFFFFF, s6;
	s16 =	sadd.s32 $0x10, s3;
	vm1 =	veq.s32 v5, $0x0;
	v5 =	vimm.s32 $0x0  }
.LBB2_3:
0x26: {  	v6 =	vld [tilespmem:s16+$0x0];
	p1 =	sne.s32 s15, $0x1;
	s15 =	sadd.s32 $0xFFFFFFFF, s15;
	v7 =	vsel vm1, $0x1, v1  }
.Ltmp2:
0x27: {  	v5 =	vadd.s32 v7, v5;
	(pc) =	sbr.rel @p1 .LBB2_3-.Ltmp2, $2  }
0x28: {  	_ =	sdelay $0x2  }
0x29: {  	s16 =	sadd.s32 $0x10, s16;
	vm1 =	veq.s32 v6, $0x0  }
.LBB2_4:
0x2a: {  	v6 =	vsel vm1, $0x1, v1  }
0x2b: {  	v5 =	vadd.s32 v6, v5  }
.LBB2_5:
0x2c: {  	(xrf0) =	vadd.scan.msk.s32 $0xffff, v5;
	_ =	sdelay $0x5  }
0x2d: {  	v5, _, _ =	vpop (xrf0)  }
0x2e: {  	s15 =	simm.s32 $0x0;
	s17 =	sadd.s32 $0x0, s7;
	(v2sf) =	vpush v5, $0xF  }
0x2f: {  	s16 =	sand.u32 $0x1F80, s17;
	s15 =	sand.u32 $0x70, s15  }
0x30: {  	s15 =	sor.u32 s15, s16  }
0x31: {  	v5 =	vld [tilespmem:s15+$0x0];
	_ =	sdelay $0x4  }
0x32: {  	vm1 =	veq.s32 v5, $0x0  }
0x33: {  	v5 =	vsel vm1, $0x1, v1  }
0x34: {  	(xrf0) =	vadd.scan.msk.s32 $0xffff, v5;
	_ =	sdelay $0x4  }
0x35: {  	s16 =	spop (v2sf)  }
0x36: {  	v6, _, _ =	vpop (xrf0);
	s20 =	ssub.s32 s17, s16  }
0x37: {  	(v2sf) =	vpush v6, $0xF;
	v5 =	vsub.s32 s20, v6  }
0x38: {  	s18 =	simm.s32 $0x10;
	v5 =	vadd.s32 v0, v5  }
0x39: {  	s19 =	simm.s32 $0x20;
	s15 =	simm.s32 $0x2000;
	s17 =	sadd.s32 $0x10, s7;
	vm1 =	vgt.s32 v5, $0x0  }
.LBB2_6:
0x3a: {  	p1 =	sne.s32 s19, $0x3F0;
	s20 =	sand.u32 $0x1F80, s17;
	s18 =	sand.u32 $0x70, s18;
	v5 =	vnsel vm1, $0x0, v5  }
0x3b: {  	s20 =	sor.u32 s18, s20;
	[tilespmem:s15+$0x0] =	vst v5;
	s18 =	smov.u32 s19  }
0x3c: {  	v5 =	vld [tilespmem:s20+$0x0];
	_ =	sdelay $0x4  }
0x3d: {  	vm1 =	veq.s32 v5, $0x0  }
0x3e: {  	v5 =	vsel vm1, $0x1, v1  }
0x3f: {  	(xrf0) =	vadd.scan.msk.s32 $0xffff, v5;
	_ =	sdelay $0x2  }
0x40: {  	s20 =	spop (v2sf)  }
0x41: {  	s16 =	sadd.s32 s16, s20  }
.Ltmp3:
0x42: {  	s17 =	ssub.s32 s17, s16;
	(pc) =	sbr.rel @p1 .LBB2_6-.Ltmp3, $4  }
0x43: {  	v5, _, _ =	vpop (xrf0)  }
0x44: {  	v6 =	vsub.s32 s17, v5;
	(v2sf) =	vpush v5, $0xF  }
0x45: {  	v5 =	vadd.s32 v0, v6  }
0x46: {  	s19 =	sadd.s32 $0x10, s19;
	s15 =	sadd.s32 $0x10, s15;
	s17 =	sadd.s32 s18, s7;
	vm1 =	vgt.s32 v5, $0x0  }
0x47: {  	s19 =	sand.u32 $0x1F80, s17;
	s18 =	sand.u32 $0x70, s18;
	v5 =	vnsel vm1, $0x0, v5  }
0x48: {  	s18 =	sor.u32 s18, s19;
	[tilespmem:s15+$0x0] =	vst v5  }
0x49: {  	v5 =	vld [tilespmem:s18+$0x0];
	_ =	sdelay $0x4  }
0x4a: {  	vm1 =	veq.s32 v5, $0x0  }
0x4b: {  	v5 =	vsel vm1, $0x1, v1  }
0x4c: {  	(xrf0) =	vadd.scan.msk.s32 $0xffff, v5;
	_ =	sdelay $0x3  }
0x4d: {  	s20 =	spop (v2sf)  }
0x4e: {  	s16 =	sadd.s32 s16, s20  }
0x4f: {  	s16 =	ssub.s32 s17, s16;
	v5, _, _ =	vpop (xrf0)  }
0x50: {  	v6 =	vsub.s32 s16, v5  }
0x51: {  	v6 =	vadd.s32 v0, v6  }
0x52: {  	vm1 =	vgt.s32 v6, $0x0  }
0x53: {  	s16 =	sadd.s32 $0x10, s15;
	v6 =	vnsel vm1, $0x0, v6  }
0x54: {  	[tilespmem:s16+$0x0] =	vst v6  }
0x55: {  	v6 =	vld [tilespmem:$0x2000];
	_ =	sdelay $0x4  }
0x56: {  	v7 =	vshll.u32 v6, $0x3  }
0x57: {  	v6 =	vand.u32 $0x7, v6;
	v7 =	vand.u32 $0xFFFFFFC0, v7  }
0x58: {  	v6 =	vor.u32 v6, v7  }
0x59: {  	v7 =	vperm.xlane v6, v2;
	_ =	sdelay $0x1  }
0x5a: {  	v7 =	vadd.s32 v3, v7;
	_ =	sdelay $0x3  }
0x5b: {  	s15 =	simm.s32 $0x0  }
0x5c: {  	[tilespmem:s13], [sflag:$0x1] =	stream.indirect_vreg.gather [hbm4b:s2+s15], $0x80, v7, vm0, $0xb8;
	[tilespmem:$0x12400] =	vst v63  }
0x5d: {  	s17 =	simm.s32 $0x2C00;
	v6 =	vperm.xlane v6, v4  }
0x5e: {  	[tilespmem:s17], [sflag:$0x1] =	stream.indirect_vreg.gather [hbm4b:s8+s15], $0x80, v7, vm0, $0xb8;
	[tilespmem:$0x12400] =	vst v63  }
0x5f: {  	s18 =	simm.s32 $0x3400;
	v6 =	vadd.s32 v3, v6  }
0x60: {  	[tilespmem:s18], [sflag:$0x1] =	stream.indirect_vreg.gather [hbm4b:s9+s15], $0x80, v7, vm0, $0xb8;
	[tilespmem:$0x12400] =	vst v63  }
0x61: {  	s19 =	simm.s32 $0x3C00  }
0x62: {  	[tilespmem:s19], [sflag:$0x1] =	stream.indirect_vreg.gather [hbm4b:s10+s15], $0x80, v7, vm0, $0xb8;
	[tilespmem:$0x12400] =	vst v63  }
0x63: {  	s20 =	simm.s32 $0x4400  }
0x64: {  	[tilespmem:s20], [sflag:$0x1] =	stream.indirect_vreg.gather [hbm4b:s2+s15], $0x80, v6, vm0, $0xb8;
	[tilespmem:$0x12400] =	vst v63  }
0x65: {  	s17 =	simm.s32 $0x4C00  }
0x66: {  	[tilespmem:s17], [sflag:$0x1] =	stream.indirect_vreg.gather [hbm4b:s8+s15], $0x80, v6, vm0, $0xb8;
	[tilespmem:$0x12400] =	vst v63  }
0x67: {  	s18 =	simm.s32 $0x5400  }
0x68: {  	[tilespmem:s18], [sflag:$0x1] =	stream.indirect_vreg.gather [hbm4b:s9+s15], $0x80, v6, vm0, $0xb8;
	[tilespmem:$0x12400] =	vst v63  }
0x69: {  	s19 =	simm.s32 $0x5C00  }
0x6a: {  	[tilespmem:s19], [sflag:$0x1] =	stream.indirect_vreg.gather [hbm4b:s10+s15], $0x80, v6, vm0, $0xb8;
	[tilespmem:$0x12400] =	vst v63  }
0x6b: {  	v6 =	vld [tilespmem:$0x2010];
	_ =	sdelay $0x4  }
0x6c: {  	v7 =	vshll.u32 v6, $0x3  }
0x6d: {  	v6 =	vand.u32 $0x7, v6;
	v7 =	vand.u32 $0xFFFFFFC0, v7  }
0x6e: {  	v6 =	vor.u32 v6, v7  }
0x6f: {  	v7 =	vperm.xlane v6, v2;
	_ =	sdelay $0x1  }
0x70: {  	v7 =	vadd.s32 v3, v7;
	_ =	sdelay $0x2  }
0x71: {  	(v2sf) =	vpush v5, $0xF;
	_ =	sdelay $0x1  }
0x72: {  	[tilespmem:s21], [sflag:$0x1] =	stream.indirect_vreg.gather [hbm4b:s2+s15], $0x80, v7, vm0, $0xb8;
	[tilespmem:$0x12400] =	vst v63  }
0x73: {  	v5 =	vperm.xlane v6, v4  }
0x74: {  	[tilespmem:s22], [sflag:$0x1] =	stream.indirect_vreg.gather [hbm4b:s8+s15], $0x80, v7, vm0, $0xb8;
	[tilespmem:$0x12400] =	vst v63  }
0x75: {  	v5 =	vadd.s32 v3, v5  }
0x76: {  	[tilespmem:s23], [sflag:$0x1] =	stream.indirect_vreg.gather [hbm4b:s9+s15], $0x80, v7, vm0, $0xb8;
	[tilespmem:$0x12400] =	vst v63  }
0x77: {  	_ = 	snop  }
0x78: {  	[tilespmem:s24], [sflag:$0x1] =	stream.indirect_vreg.gather [hbm4b:s10+s15], $0x80, v7, vm0, $0xb8;
	[tilespmem:$0x12400] =	vst v63  }
0x79: {  	_ = 	snop  }
0x7a: {  	[tilespmem:s25], [sflag:$0x1] =	stream.indirect_vreg.gather [hbm4b:s2+s15], $0x80, v5, vm0, $0xb8;
	[tilespmem:$0x12400] =	vst v63  }
0x7b: {  	_ = 	snop  }
0x7c: {  	[tilespmem:s26], [sflag:$0x1] =	stream.indirect_vreg.gather [hbm4b:s8+s15], $0x80, v5, vm0, $0xb8;
	[tilespmem:$0x12400] =	vst v63  }
0x7d: {  	_ = 	snop  }
0x7e: {  	[tilespmem:s28], [sflag:$0x1] =	stream.indirect_vreg.gather [hbm4b:s9+s15], $0x80, v5, vm0, $0xb8;
	[tilespmem:$0x12400] =	vst v63  }
0x7f: {  	s16 =	simm.s32 $0x2030;
	s20 =	spop (v2sf)  }
0x80: {  	[tilespmem:s29], [sflag:$0x1] =	stream.indirect_vreg.gather [hbm4b:s10+s15], $0x80, v5, vm0, $0xb8;
	[tilespmem:$0x12400] =	vst v63  }
.LBB2_8:
0x81: {  	v5 =	vld [tilespmem:s16+$0xFFFFFFF0];
	_ =	sdelay $0x4  }
0x82: {  	v6 =	vshll.u32 v5, $0x3  }
0x83: {  	v5 =	vand.u32 $0x7, v5;
	v6 =	vand.u32 $0xFFFFFFC0, v6  }
0x84: {  	v5 =	vor.u32 v5, v6  }
0x85: {  	v6 =	vperm.xlane v5, v2;
	_ =	sdelay $0x1  }
0x86: {  	v6 =	vadd.s32 v3, v6;
	_ =	sdelay $0x4  }
0x87: {  	[tilespmem:s30], [sflag:$0x2] =	stream.indirect_vreg.gather [hbm4b:s2+s3], $0x80, v6, vm0, $0xb8;
	[tilespmem:$0x12400] =	vst v63  }
0x88: {  	s17 =	rddreg [dreg:$0x5];
	v5 =	vperm.xlane v5, v4  }
0x89: {  	[tilespmem:s17], [sflag:$0x2] =	stream.indirect_vreg.gather [hbm4b:s8+s3], $0x80, v6, vm0, $0xb8;
	[tilespmem:$0x12400] =	vst v63  }
0x8a: {  	s18 =	rddreg [dreg:$0x6];
	v5 =	vadd.s32 v3, v5  }
0x8b: {  	[tilespmem:s18], [sflag:$0x2] =	stream.indirect_vreg.gather [hbm4b:s9+s3], $0x80, v6, vm0, $0xb8;
	[tilespmem:$0x12400] =	vst v63  }
0x8c: {  	s20 =	rddreg [dreg:$0x7]  }
0x8d: {  	[tilespmem:s20], [sflag:$0x2] =	stream.indirect_vreg.gather [hbm4b:s10+s3], $0x80, v6, vm0, $0xb8;
	[tilespmem:$0x12400] =	vst v63  }
0x8e: {  	s19 =	rddreg [dreg:$0x8]  }
0x8f: {  	[tilespmem:s19], [sflag:$0x2] =	stream.indirect_vreg.gather [hbm4b:s2+s3], $0x80, v5, vm0, $0xb8;
	[tilespmem:$0x12400] =	vst v63  }
0x90: {  	s20 =	rddreg [dreg:$0x9]  }
0x91: {  	[tilespmem:s20], [sflag:$0x2] =	stream.indirect_vreg.gather [hbm4b:s8+s3], $0x80, v5, vm0, $0xb8;
	[tilespmem:$0x12400] =	vst v63  }
0x92: {  	s19 =	rddreg [dreg:$0xa]  }
0x93: {  	[tilespmem:s19], [sflag:$0x2] =	stream.indirect_vreg.gather [hbm4b:s9+s3], $0x80, v5, vm0, $0xb8;
	[tilespmem:$0x12400] =	vst v63  }
0x94: {  	s20 =	rddreg [dreg:$0xb]  }
0x95: {  	[tilespmem:s20], [sflag:$0x2] =	stream.indirect_vreg.gather [hbm4b:s10+s3], $0x80, v5, vm0, $0xb8;
	[tilespmem:$0x12400] =	vst v63  }
0x96: {  	v5 =	vld [tilespmem:s16+$0x0];
	_ =	sdelay $0x4  }
0x97: {  	v6 =	vshll.u32 v5, $0x3  }
0x98: {  	v5 =	vand.u32 $0x7, v5;
	v6 =	vand.u32 $0xFFFFFFC0, v6  }
0x99: {  	v5 =	vor.u32 v5, v6  }
0x9a: {  	v6 =	vperm.xlane v5, v2;
	_ =	sdelay $0x1  }
0x9b: {  	v6 =	vadd.s32 v3, v6;
	_ =	sdelay $0x3  }
0x9c: {  	s18 =	rddreg [dreg:$0xc]  }
0x9d: {  	[tilespmem:s18], [sflag:$0x2] =	stream.indirect_vreg.gather [hbm4b:s2+s3], $0x80, v6, vm0, $0xb8;
	[tilespmem:$0x12400] =	vst v63  }
0x9e: {  	s19 =	rddreg [dreg:$0xd];
	v5 =	vperm.xlane v5, v4  }
0x9f: {  	[tilespmem:s19], [sflag:$0x2] =	stream.indirect_vreg.gather [hbm4b:s8+s3], $0x80, v6, vm0, $0xb8;
	[tilespmem:$0x12400] =	vst v63  }
0xa0: {  	s20 =	rddreg [dreg:$0xe];
	v5 =	vadd.s32 v3, v5  }
0xa1: {  	[tilespmem:s20], [sflag:$0x2] =	stream.indirect_vreg.gather [hbm4b:s9+s3], $0x80, v6, vm0, $0xb8;
	[tilespmem:$0x12400] =	vst v63  }
0xa2: {  	s19 =	rddreg [dreg:$0xf]  }
0xa3: {  	[tilespmem:s19], [sflag:$0x2] =	stream.indirect_vreg.gather [hbm4b:s10+s3], $0x80, v6, vm0, $0xb8;
	[tilespmem:$0x12400] =	vst v63  }
0xa4: {  	s20 =	rddreg [dreg:$0x10]  }
0xa5: {  	[tilespmem:s20], [sflag:$0x2] =	stream.indirect_vreg.gather [hbm4b:s2+s3], $0x80, v5, vm0, $0xb8;
	[tilespmem:$0x12400] =	vst v63  }
0xa6: {  	s19 =	rddreg [dreg:$0x11]  }
0xa7: {  	[tilespmem:s19], [sflag:$0x2] =	stream.indirect_vreg.gather [hbm4b:s8+s3], $0x80, v5, vm0, $0xb8;
	[tilespmem:$0x12400] =	vst v63  }
0xa8: {  	_ = 	snop  }
0xa9: {  	[tilespmem:s31], [sflag:$0x2] =	stream.indirect_vreg.gather [hbm4b:s9+s3], $0x80, v5, vm0, $0xb8;
	[tilespmem:$0x12400] =	vst v63  }
0xaa: {  	_ = 	snop  }
0xab: {  	[tilespmem:s1], [sflag:$0x2] =	stream.indirect_vreg.gather [hbm4b:s10+s3], $0x80, v5, vm0, $0xb8;
	[tilespmem:$0x12400] =	vst v63  }
0xac: {  	_ =	swait.ge [sflag:s4], $0x8000  }
0xad: {  	s20 =	rddreg [dreg:$0x4];
	[sflag:s4] =	ssyncset.done $0x0  }
0xae: {  	[sflag:s4] =	ssyncadd.s32 $0xFFFF8000;
	s17 =	sadd.s32 s15, s20  }
0xaf: {  	[hbm4b:s17+s3] =	stream.linear.scatter [tilespmem:s13], [sflag:$0x3], $0x8000, $0x38;
	[tilespmem:$0x12400] =	vst v63  }
0xb0: {  	_ =	swait.ge [sflag:s12], $0x8000  }
0xb1: {  	[sflag:s12] =	ssyncset.done $0x0  }
0xb2: {  	p1 =	seq.s32 s15, $0x1E000;
	[sflag:s12] =	ssyncadd.s32 $0xFFFF8000  }
0xb3: {  	v5 =	vld @!p1 [tilespmem:s16+$0x10];
	_ =	sdelay $0x4  }
0xb4: {  	v6 =	vshll.u32 @!p1 v5, $0x3  }
0xb5: {  	v7 =	vlaneseq.u32 @!p1;
	v5 =	vand.u32 @!p1 $0x7, v5;
	v6 =	vand.u32 @!p1 $0xFFFFFFC0, v6  }
0xb6: {  	v8 =	vshrl.u32 @!p1 v7, $0x3;
	v5 =	vor.u32 @!p1 v5, v6;
	v6 =	vand.u32 @!p1 $0x7, v7  }
0xb7: {  	v8 =	vmul.u32 @!p1 $0x8, v8;
	v9 =	vperm.xlane @!p1 v5, v6;
	_ =	sdelay $0x1  }
0xb8: {  	v9 =	vadd.s32 @!p1 v8, v9;
	_ =	sdelay $0x3  }
0xb9: {  	vm1 =	vmmov @!p1 $0xffff;
	s18 =	simm.s32 @!p1 $0x0;
	s19 =	simm.s32 @!p1 $0x2400  }
0xba: {  	v7 =	vor.u32 @!p1 $0x8, v7;
	[tilespmem:s19], [sflag:$0x1] =	stream.indirect_vreg.gather @!p1 [hbm4b:s2+s18], $0x80, v9, vm1, $0xb8;
	[tilespmem:$0x12400] =	vst v63  }
0xbb: {  	v5 =	vperm.xlane @!p1 v5, v7;
	s19 =	simm.s32 @!p1 $0x2C00  }
0xbc: {  	[tilespmem:s19], [sflag:$0x1] =	stream.indirect_vreg.gather @!p1 [hbm4b:s8+s18], $0x80, v9, vm1, $0xb8;
	[tilespmem:$0x12400] =	vst v63  }
0xbd: {  	v5 =	vadd.s32 @!p1 v8, v5;
	s19 =	simm.s32 @!p1 $0x3400  }
0xbe: {  	[tilespmem:s19], [sflag:$0x1] =	stream.indirect_vreg.gather @!p1 [hbm4b:s9+s18], $0x80, v9, vm1, $0xb8;
	[tilespmem:$0x12400] =	vst v63  }
0xbf: {  	s19 =	simm.s32 @!p1 $0x3C00  }
0xc0: {  	[tilespmem:s19], [sflag:$0x1] =	stream.indirect_vreg.gather @!p1 [hbm4b:s10+s18], $0x80, v9, vm1, $0xb8;
	[tilespmem:$0x12400] =	vst v63  }
0xc1: {  	s19 =	simm.s32 @!p1 $0x4400  }
0xc2: {  	[tilespmem:s19], [sflag:$0x1] =	stream.indirect_vreg.gather @!p1 [hbm4b:s2+s18], $0x80, v5, vm1, $0xb8;
	[tilespmem:$0x12400] =	vst v63  }
0xc3: {  	s19 =	simm.s32 @!p1 $0x4C00  }
0xc4: {  	[tilespmem:s19], [sflag:$0x1] =	stream.indirect_vreg.gather @!p1 [hbm4b:s8+s18], $0x80, v5, vm1, $0xb8;
	[tilespmem:$0x12400] =	vst v63  }
0xc5: {  	s19 =	simm.s32 @!p1 $0x5400  }
0xc6: {  	[tilespmem:s19], [sflag:$0x1] =	stream.indirect_vreg.gather @!p1 [hbm4b:s9+s18], $0x80, v5, vm1, $0xb8;
	[tilespmem:$0x12400] =	vst v63  }
0xc7: {  	s19 =	simm.s32 @!p1 $0x5C00  }
0xc8: {  	[tilespmem:s19], [sflag:$0x1] =	stream.indirect_vreg.gather @!p1 [hbm4b:s10+s18], $0x80, v5, vm1, $0xb8;
	[tilespmem:$0x12400] =	vst v63  }
0xc9: {  	v5 =	vld @!p1 [tilespmem:s16+$0x20];
	_ =	sdelay $0x4  }
0xca: {  	v9 =	vshll.u32 @!p1 v5, $0x3  }
0xcb: {  	v5 =	vand.u32 @!p1 $0x7, v5;
	v9 =	vand.u32 @!p1 $0xFFFFFFC0, v9  }
0xcc: {  	v5 =	vor.u32 @!p1 v5, v9  }
0xcd: {  	v6 =	vperm.xlane @!p1 v5, v6;
	_ =	sdelay $0x1  }
0xce: {  	v6 =	vadd.s32 @!p1 v8, v6;
	_ =	sdelay $0x3  }
0xcf: {  	s19 =	simm.s32 @!p1 $0x6400  }
0xd0: {  	[tilespmem:s19], [sflag:$0x1] =	stream.indirect_vreg.gather @!p1 [hbm4b:s2+s18], $0x80, v6, vm1, $0xb8;
	[tilespmem:$0x12400] =	vst v63  }
0xd1: {  	v5 =	vperm.xlane @!p1 v5, v7;
	s19 =	simm.s32 @!p1 $0x6C00  }
0xd2: {  	[tilespmem:s19], [sflag:$0x1] =	stream.indirect_vreg.gather @!p1 [hbm4b:s8+s18], $0x80, v6, vm1, $0xb8;
	[tilespmem:$0x12400] =	vst v63  }
0xd3: {  	v5 =	vadd.s32 @!p1 v8, v5;
	s19 =	simm.s32 @!p1 $0x7400  }
0xd4: {  	[tilespmem:s19], [sflag:$0x1] =	stream.indirect_vreg.gather @!p1 [hbm4b:s9+s18], $0x80, v6, vm1, $0xb8;
	[tilespmem:$0x12400] =	vst v63  }
0xd5: {  	s19 =	simm.s32 @!p1 $0x7C00  }
0xd6: {  	[tilespmem:s19], [sflag:$0x1] =	stream.indirect_vreg.gather @!p1 [hbm4b:s10+s18], $0x80, v6, vm1, $0xb8;
	[tilespmem:$0x12400] =	vst v63  }
0xd7: {  	s19 =	simm.s32 @!p1 $0x8400  }
0xd8: {  	[tilespmem:s19], [sflag:$0x1] =	stream.indirect_vreg.gather @!p1 [hbm4b:s2+s18], $0x80, v5, vm1, $0xb8;
	[tilespmem:$0x12400] =	vst v63  }
0xd9: {  	s19 =	simm.s32 @!p1 $0x8C00  }
0xda: {  	[tilespmem:s19], [sflag:$0x1] =	stream.indirect_vreg.gather @!p1 [hbm4b:s8+s18], $0x80, v5, vm1, $0xb8;
	[tilespmem:$0x12400] =	vst v63  }
0xdb: {  	s19 =	simm.s32 @!p1 $0x9400  }
0xdc: {  	[tilespmem:s19], [sflag:$0x1] =	stream.indirect_vreg.gather @!p1 [hbm4b:s9+s18], $0x80, v5, vm1, $0xb8;
	[tilespmem:$0x12400] =	vst v63  }
0xdd: {  	s19 =	simm.s32 @!p1 $0x9C00  }
0xde: {  	[tilespmem:s19], [sflag:$0x1] =	stream.indirect_vreg.gather @!p1 [hbm4b:s10+s18], $0x80, v5, vm1, $0xb8;
	[tilespmem:$0x12400] =	vst v63  }
0xdf: {  	s15 =	sadd.s32 $0x2000, s15;
	_ =	swait.ge [sflag:s0], $0x8000  }
0xe0: {  	p1 =	sne.s32 s15, $0x20000;
	[sflag:s0] =	ssyncset.done $0x0  }
.Ltmp4:
0xe1: {  	s17 =	sadd.s32 $0x1000, s17;
	[sflag:s0] =	ssyncadd.s32 $0xFFFF8000;
	(pc) =	sbr.rel @p1 .LBB2_8-.Ltmp4, $4  }
0xe2: {  	[hbm4b:s17+s3] =	stream.linear.scatter [tilespmem:s30], [sflag:$0x3], $0x8000, $0x38;
	[tilespmem:$0x12400] =	vst v63  }
0xe3: {  	_ =	swait.ge [sflag:s12], $0x8000  }
0xe4: {  	[sflag:s12] =	ssyncset.done $0x0  }
0xe5: {  	s16 =	sadd.s32 $0x40, s16;
	[sflag:s12] =	ssyncadd.s32 $0xFFFF8000  }
0xe6: {  	s14 =	sadd.s32 $0x1, s14  }
0xe7: {  	p1 =	sne.s32 s14, s11  }
.Ltmp5:
0xe8: {  	_ = 	snop;
	(pc) =	sbr.rel @p1 .LBB2_1-.Ltmp5, $1  }
0xe9: {  	_ =	sdelay $0x3  }
0xea: {  	_ =	sfence.sel $0x180000  }
0xeb: {  	[bflag:$0x0] =	sbarrier.arrive $0xFFFF  }
0xec: {  	_ =	strace $0x90000047  }
0xed: {  	s0 =	stileid.u32;
	[bflag:$0x2] =	sbarrier.arrive $0xFFFF  }
0xee: {  	p0 =	sne.s32 s0, $0x0;
	s0 =	rddreg [dreg:$0x3]  }
0xef: {  	s0 =	sadd.s32 @!p0 $0x100000, s0  }
0xf0: {  	[sflag:s0] =	ssyncadd.tile.s32 @!p0 $0x1;
	_ =	shalt  }
.Lfunc_end2:
_tile_overlayer_lowered:
.L_overlay_start_2:
0xf1: {  	(tag) =	ssettag $0x2  }
0xf2: {  	s0 =	rddreg [dreg:$0x0];
	s2 =	stileid.u32  }
0xf3: {  	s1 =	rddreg [dreg:$0x1];
	p0 =	sne.s32 s2, $0x0  }
0xf4: {  	s3 =	rddreg [dreg:$0x2];
	[bflag:$0x3] =	sbarrier.arrive $0xFFFF;
	s2 =	simm.s32 @!p0 $0x1C03  }
0xf5: {  	[timem:s3], [sflag:s2] =	dma.local @!p0 [hbm:s0], s1  }
0xf6: {  	s0 =	simm.s32 @!p0 $0x3  }
0xf7: {  	_ =	swait.ge @!p0 [sflag:s0], s1  }
0xf8: {  	s1 =	ssub.s32 @!p0 $0x0, s1;
	[sflag:s0] =	ssyncset.done @!p0 $0x0  }
0xf9: {  	[sflag:s0] =	ssyncadd.s32 @!p0 s1  }
0xfa: {  	[bflag:$0x3] =	sbarrier.arrive $0xFFFF  }
0xfb: {  	_ =	shalt  }

</sc_bundles>
